<compile_context>
chip_gen: v7x
topology: tpu7x:2x2x1
jax: 0.10.2.dev20260603
libtpu: 0.0.44.dev20260713+nightly
codegen_flags: <defaults>
</compile_context>

<pallas_src>
import functools
import jax
import jax.numpy as jnp
from jax import lax
from jax.experimental import pallas as pl
from jax.experimental.pallas import tpu as pltpu
from jax.experimental.pallas import tpu_sc as plsc

_N, _S, _D = 16, 4096, 256
_NW = 32
_RPW = (_N * _S) // _NW
_CHUNK = 128
_NCH = _RPW // _CHUNK


def _body(feat_hbm, out_hbm, buf0, buf1, res_v, sem0, sem1, sem2):
    cid = lax.axis_index("c")
    sid = lax.axis_index("s")
    wid = sid * 2 + cid
    base = wid * _RPW
    bufs = (buf0, buf1)
    sems = (sem0, sem1)
    for b in range(2):
        pltpu.make_async_copy(
            feat_hbm.at[pl.ds(base + b * _CHUNK, _CHUNK)], bufs[b],
            sems[b]).start()
    for ci in range(_NCH):
        b = ci % 2
        pltpu.make_async_copy(
            feat_hbm.at[pl.ds(base + ci * _CHUNK, _CHUNK)], bufs[b],
            sems[b]).wait()
        if ci + 2 < _NCH:
            pltpu.make_async_copy(
                feat_hbm.at[pl.ds(base + (ci + 2) * _CHUNK, _CHUNK)],
                bufs[b], sems[b]).start()
    res_v[...] = buf0[0, pl.ds(0, 16)] + buf1[0, pl.ds(0, 16)]
    pltpu.sync_copy(res_v, out_hbm.at[wid])


def kernel(feature, noise):
    feat2d = feature.reshape(_N * _S, _D)
    mesh = plsc.VectorSubcoreMesh(core_axis_name="c", subcore_axis_name="s")
    probe = pl.kernel(
        _body,
        out_type=jax.ShapeDtypeStruct((_NW, 16), jnp.float32),
        mesh=mesh,
        scratch_types=[
            pltpu.VMEM((_CHUNK, _D), jnp.float32),
            pltpu.VMEM((_CHUNK, _D), jnp.float32),
            pltpu.VMEM((16,), jnp.float32),
            pltpu.SemaphoreType.DMA,
            pltpu.SemaphoreType.DMA,
            pltpu.SemaphoreType.DMA,
        ],
    )
    out = probe(feat2d)
    tok = (out[0, 0] * 0.0).astype(jnp.int32)
    return jnp.zeros((2, 59), jnp.int32) + tok

# --- scband reference (transcript-rebuilt; emitter-appended) ---
"""Pipeline reference for scband-graph-based-domain-discrepancy-75960791597702 (READ-ONLY COPY).

The authoritative reference and input builder live on the scoring server;
editing this copy changes nothing except your own understanding.
"""

import jax, jax.numpy as jnp
import numpy as np

NUM_DOMAINS = 16
N_SAMPLES = 4096
D_FEAT = 256
TOP_RATIO = 0.5
DECAY = 0.999
MIN_TOP = 0.4
RANDOM_FACTOR = 0.8


def setup_inputs(seed: int = 0) -> dict:
    key = jax.random.key(seed)
    k1, k2 = jax.random.split(key)
    feature = jax.random.normal(k1, (NUM_DOMAINS, N_SAMPLES, D_FEAT), dtype=jnp.float32)
    n_edges = NUM_DOMAINS * (NUM_DOMAINS - 1) // 2
    noise = jax.random.normal(k2, (n_edges,), dtype=jnp.float32)
    return {"feature": feature, "noise": noise}


def reference(feature, noise):
    # First forward call: domain_pairs is None, so the discrepancy graph is built.
    n = feature.shape[0]
    iu_np, ju_np = np.triu_indices(n, k=1)
    iu = jnp.asarray(iu_np, dtype=jnp.int32)
    ju = jnp.asarray(ju_np, dtype=jnp.int32)

    # Linear-kernel MMD between each pair of domains:
    #   delta = mean(Xi, 0) - mean(Xj, 0);  mmd = delta . delta
    means = jnp.mean(feature, axis=1)            # [n, d]
    delta = means[iu] - means[ju]                # [E, d]
    edge_weight = jnp.sum(delta * delta, axis=1) # [E]  (dense_to_sparse of upper-tri adj,
                                                 #  row-major order == triu_indices order)
    edge_index = jnp.stack([iu, ju], axis=0)     # [2, E]

    # top_ratio decays once on graph rebuild
    top_ratio = max(TOP_RATIO * DECAY, MIN_TOP)
    E = edge_weight.shape[0]
    k = max(int(top_ratio * E), 1)

    # get_domain_pairs: perturb weights with noise scaled by mean weight, then top-k
    perturbed = edge_weight + noise * jnp.mean(edge_weight) * RANDOM_FACTOR
    _vals, idx = jax.lax.top_k(perturbed, k)
    domain_pairs = edge_index[:, idx]            # [2, k]
    return domain_pairs

if __name__ == "__main__":
    import jax
    _d = setup_inputs()
    print(jax.jit(kernel)(*tuple(_d.values())))

</pallas_src>

<mosaic_0001>
#map = affine_map<(d0, d1) -> (0, 0)>
module attributes {stable_mosaic.version = 14 : i64} {
  func.func @_body(%arg0: i32, %arg1: i32, %arg2: memref<65536x256xf32, #tpu.memory_space<hbm>>, %arg3: memref<32x16xf32, #tpu.memory_space<hbm>>, %arg4: memref<128x256xf32, #tpu.memory_space<vmem>>, %arg5: memref<128x256xf32, #tpu.memory_space<vmem>>, %arg6: memref<16xf32, #tpu.memory_space<vmem>>, %arg7: memref<!tpu.dma_semaphore, #tpu.memory_space<semaphore_mem>>, %arg8: memref<!tpu.dma_semaphore, #tpu.memory_space<semaphore_mem>>, %arg9: memref<!tpu.dma_semaphore, #tpu.memory_space<semaphore_mem>>) attributes {dimension_semantics = [#tpu.dimension_semantics<core_parallel>, #tpu.dimension_semantics<subcore_parallel>], iteration_bounds = array<i64: 2, 16>, scalar_prefetch = 0 : i64, scratch_operands = 6 : i64, tpu.core_type = #tpu.core_type<sc_vector_subcore>, window_params = [{transform_indices = #map}, {transform_indices = #map}]} {
    %mul3A = arith.constant 2 : i32
    %mul3A_0 = arith.muli %arg1, %mul3A : i32
    %add3A = arith.addi %mul3A_0, %arg0 : i32
    %mul3A_1 = arith.constant 2048 : i32
    %mul3A_2 = arith.muli %add3A, %mul3A_1 : i32
    %add3A_3 = arith.constant 0 : i32
    %add3A_4 = arith.addi %mul3A_2, %add3A_3 : i32
    %dma_start3A = arith.constant 0 : i32
    %dma_start3A_5 = tpu.memref_slice %arg2[%add3A_4, %dma_start3A] : memref<65536x256xf32, #tpu.memory_space<hbm>> -> memref<128x256xf32, #tpu.memory_space<hbm>>
    %dma_start3A_6 = arith.constant 0 : i32
    %dma_start3A_7 = tpu.memref_slice %arg2[%add3A_4, %dma_start3A_6] : memref<65536x256xf32, #tpu.memory_space<hbm>> -> memref<128x256xf32, #tpu.memory_space<hbm>>
    tpu.enqueue_dma source(%dma_start3A_7 : memref<128x256xf32, #tpu.memory_space<hbm>>) target(%arg4 : memref<128x256xf32, #tpu.memory_space<vmem>>) target_semaphore(%arg7 : memref<!tpu.dma_semaphore, #tpu.memory_space<semaphore_mem>>)
    %add3A_8 = arith.constant 128 : i32
    %add3A_9 = arith.addi %mul3A_2, %add3A_8 : i32
    %dma_start3A_10 = arith.constant 0 : i32
    %dma_start3A_11 = tpu.memref_slice %arg2[%add3A_9, %dma_start3A_10] : memref<65536x256xf32, #tpu.memory_space<hbm>> -> memref<128x256xf32, #tpu.memory_space<hbm>>
    %dma_start3A_12 = arith.constant 0 : i32
    %dma_start3A_13 = tpu.memref_slice %arg2[%add3A_9, %dma_start3A_12] : memref<65536x256xf32, #tpu.memory_space<hbm>> -> memref<128x256xf32, #tpu.memory_space<hbm>>
    tpu.enqueue_dma source(%dma_start3A_13 : memref<128x256xf32, #tpu.memory_space<hbm>>) target(%arg5 : memref<128x256xf32, #tpu.memory_space<vmem>>) target_semaphore(%arg8 : memref<!tpu.dma_semaphore, #tpu.memory_space<semaphore_mem>>)
    %add3A_14 = arith.constant 0 : i32
    %add3A_15 = arith.addi %mul3A_2, %add3A_14 : i32
    %dma_wait3A = arith.constant 0 : i32
    %dma_wait3A_16 = tpu.memref_slice %arg2[%add3A_15, %dma_wait3A] : memref<65536x256xf32, #tpu.memory_space<hbm>> -> memref<128x256xf32, #tpu.memory_space<hbm>>
    %dma_wait3A_17 = arith.constant 0 : i32
    %dma_wait3A_18 = tpu.memref_slice %arg2[%add3A_15, %dma_wait3A_17] : memref<65536x256xf32, #tpu.memory_space<hbm>> -> memref<128x256xf32, #tpu.memory_space<hbm>>
    tpu.wait_dma2 semaphore(%arg7 : memref<!tpu.dma_semaphore, #tpu.memory_space<semaphore_mem>>) src(%dma_wait3A_18 : memref<128x256xf32, #tpu.memory_space<hbm>>) dst(%arg4 : memref<128x256xf32, #tpu.memory_space<vmem>>)
    %add3A_19 = arith.constant 256 : i32
    %add3A_20 = arith.addi %mul3A_2, %add3A_19 : i32
    %dma_start3A_21 = arith.constant 0 : i32
    %dma_start3A_22 = tpu.memref_slice %arg2[%add3A_20, %dma_start3A_21] : memref<65536x256xf32, #tpu.memory_space<hbm>> -> memref<128x256xf32, #tpu.memory_space<hbm>>
    %dma_start3A_23 = arith.constant 0 : i32
    %dma_start3A_24 = tpu.memref_slice %arg2[%add3A_20, %dma_start3A_23] : memref<65536x256xf32, #tpu.memory_space<hbm>> -> memref<128x256xf32, #tpu.memory_space<hbm>>
    tpu.enqueue_dma source(%dma_start3A_24 : memref<128x256xf32, #tpu.memory_space<hbm>>) target(%arg4 : memref<128x256xf32, #tpu.memory_space<vmem>>) target_semaphore(%arg7 : memref<!tpu.dma_semaphore, #tpu.memory_space<semaphore_mem>>)
    %add3A_25 = arith.constant 128 : i32
    %add3A_26 = arith.addi %mul3A_2, %add3A_25 : i32
    %dma_wait3A_27 = arith.constant 0 : i32
    %dma_wait3A_28 = tpu.memref_slice %arg2[%add3A_26, %dma_wait3A_27] : memref<65536x256xf32, #tpu.memory_space<hbm>> -> memref<128x256xf32, #tpu.memory_space<hbm>>
    %dma_wait3A_29 = arith.constant 0 : i32
    %dma_wait3A_30 = tpu.memref_slice %arg2[%add3A_26, %dma_wait3A_29] : memref<65536x256xf32, #tpu.memory_space<hbm>> -> memref<128x256xf32, #tpu.memory_space<hbm>>
    tpu.wait_dma2 semaphore(%arg8 : memref<!tpu.dma_semaphore, #tpu.memory_space<semaphore_mem>>) src(%dma_wait3A_30 : memref<128x256xf32, #tpu.memory_space<hbm>>) dst(%arg5 : memref<128x256xf32, #tpu.memory_space<vmem>>)
    %add3A_31 = arith.constant 384 : i32
    %add3A_32 = arith.addi %mul3A_2, %add3A_31 : i32
    %dma_start3A_33 = arith.constant 0 : i32
    %dma_start3A_34 = tpu.memref_slice %arg2[%add3A_32, %dma_start3A_33] : memref<65536x256xf32, #tpu.memory_space<hbm>> -> memref<128x256xf32, #tpu.memory_space<hbm>>
    %dma_start3A_35 = arith.constant 0 : i32
    %dma_start3A_36 = tpu.memref_slice %arg2[%add3A_32, %dma_start3A_35] : memref<65536x256xf32, #tpu.memory_space<hbm>> -> memref<128x256xf32, #tpu.memory_space<hbm>>
    tpu.enqueue_dma source(%dma_start3A_36 : memref<128x256xf32, #tpu.memory_space<hbm>>) target(%arg5 : memref<128x256xf32, #tpu.memory_space<vmem>>) target_semaphore(%arg8 : memref<!tpu.dma_semaphore, #tpu.memory_space<semaphore_mem>>)
    %add3A_37 = arith.constant 256 : i32
    %add3A_38 = arith.addi %mul3A_2, %add3A_37 : i32
    %dma_wait3A_39 = arith.constant 0 : i32
    %dma_wait3A_40 = tpu.memref_slice %arg2[%add3A_38, %dma_wait3A_39] : memref<65536x256xf32, #tpu.memory_space<hbm>> -> memref<128x256xf32, #tpu.memory_space<hbm>>
    %dma_wait3A_41 = arith.constant 0 : i32
    %dma_wait3A_42 = tpu.memref_slice %arg2[%add3A_38, %dma_wait3A_41] : memref<65536x256xf32, #tpu.memory_space<hbm>> -> memref<128x256xf32, #tpu.memory_space<hbm>>
    tpu.wait_dma2 semaphore(%arg7 : memref<!tpu.dma_semaphore, #tpu.memory_space<semaphore_mem>>) src(%dma_wait3A_42 : memref<128x256xf32, #tpu.memory_space<hbm>>) dst(%arg4 : memref<128x256xf32, #tpu.memory_space<vmem>>)
    %add3A_43 = arith.constant 512 : i32
    %add3A_44 = arith.addi %mul3A_2, %add3A_43 : i32
    %dma_start3A_45 = arith.constant 0 : i32
    %dma_start3A_46 = tpu.memref_slice %arg2[%add3A_44, %dma_start3A_45] : memref<65536x256xf32, #tpu.memory_space<hbm>> -> memref<128x256xf32, #tpu.memory_space<hbm>>
    %dma_start3A_47 = arith.constant 0 : i32
    %dma_start3A_48 = tpu.memref_slice %arg2[%add3A_44, %dma_start3A_47] : memref<65536x256xf32, #tpu.memory_space<hbm>> -> memref<128x256xf32, #tpu.memory_space<hbm>>
    tpu.enqueue_dma source(%dma_start3A_48 : memref<128x256xf32, #tpu.memory_space<hbm>>) target(%arg4 : memref<128x256xf32, #tpu.memory_space<vmem>>) target_semaphore(%arg7 : memref<!tpu.dma_semaphore, #tpu.memory_space<semaphore_mem>>)
    %add3A_49 = arith.constant 384 : i32
    %add3A_50 = arith.addi %mul3A_2, %add3A_49 : i32
    %dma_wait3A_51 = arith.constant 0 : i32
    %dma_wait3A_52 = tpu.memref_slice %arg2[%add3A_50, %dma_wait3A_51] : memref<65536x256xf32, #tpu.memory_space<hbm>> -> memref<128x256xf32, #tpu.memory_space<hbm>>
    %dma_wait3A_53 = arith.constant 0 : i32
    %dma_wait3A_54 = tpu.memref_slice %arg2[%add3A_50, %dma_wait3A_53] : memref<65536x256xf32, #tpu.memory_space<hbm>> -> memref<128x256xf32, #tpu.memory_space<hbm>>
    tpu.wait_dma2 semaphore(%arg8 : memref<!tpu.dma_semaphore, #tpu.memory_space<semaphore_mem>>) src(%dma_wait3A_54 : memref<128x256xf32, #tpu.memory_space<hbm>>) dst(%arg5 : memref<128x256xf32, #tpu.memory_space<vmem>>)
    %add3A_55 = arith.constant 640 : i32
    %add3A_56 = arith.addi %mul3A_2, %add3A_55 : i32
    %dma_start3A_57 = arith.constant 0 : i32
    %dma_start3A_58 = tpu.memref_slice %arg2[%add3A_56, %dma_start3A_57] : memref<65536x256xf32, #tpu.memory_space<hbm>> -> memref<128x256xf32, #tpu.memory_space<hbm>>
    %dma_start3A_59 = arith.constant 0 : i32
    %dma_start3A_60 = tpu.memref_slice %arg2[%add3A_56, %dma_start3A_59] : memref<65536x256xf32, #tpu.memory_space<hbm>> -> memref<128x256xf32, #tpu.memory_space<hbm>>
    tpu.enqueue_dma source(%dma_start3A_60 : memref<128x256xf32, #tpu.memory_space<hbm>>) target(%arg5 : memref<128x256xf32, #tpu.memory_space<vmem>>) target_semaphore(%arg8 : memref<!tpu.dma_semaphore, #tpu.memory_space<semaphore_mem>>)
    %add3A_61 = arith.constant 512 : i32
    %add3A_62 = arith.addi %mul3A_2, %add3A_61 : i32
    %dma_wait3A_63 = arith.constant 0 : i32
    %dma_wait3A_64 = tpu.memref_slice %arg2[%add3A_62, %dma_wait3A_63] : memref<65536x256xf32, #tpu.memory_space<hbm>> -> memref<128x256xf32, #tpu.memory_space<hbm>>
    %dma_wait3A_65 = arith.constant 0 : i32
    %dma_wait3A_66 = tpu.memref_slice %arg2[%add3A_62, %dma_wait3A_65] : memref<65536x256xf32, #tpu.memory_space<hbm>> -> memref<128x256xf32, #tpu.memory_space<hbm>>
    tpu.wait_dma2 semaphore(%arg7 : memref<!tpu.dma_semaphore, #tpu.memory_space<semaphore_mem>>) src(%dma_wait3A_66 : memref<128x256xf32, #tpu.memory_space<hbm>>) dst(%arg4 : memref<128x256xf32, #tpu.memory_space<vmem>>)
    %add3A_67 = arith.constant 768 : i32
    %add3A_68 = arith.addi %mul3A_2, %add3A_67 : i32
    %dma_start3A_69 = arith.constant 0 : i32
    %dma_start3A_70 = tpu.memref_slice %arg2[%add3A_68, %dma_start3A_69] : memref<65536x256xf32, #tpu.memory_space<hbm>> -> memref<128x256xf32, #tpu.memory_space<hbm>>
    %dma_start3A_71 = arith.constant 0 : i32
    %dma_start3A_72 = tpu.memref_slice %arg2[%add3A_68, %dma_start3A_71] : memref<65536x256xf32, #tpu.memory_space<hbm>> -> memref<128x256xf32, #tpu.memory_space<hbm>>
    tpu.enqueue_dma source(%dma_start3A_72 : memref<128x256xf32, #tpu.memory_space<hbm>>) target(%arg4 : memref<128x256xf32, #tpu.memory_space<vmem>>) target_semaphore(%arg7 : memref<!tpu.dma_semaphore, #tpu.memory_space<semaphore_mem>>)
    %add3A_73 = arith.constant 640 : i32
    %add3A_74 = arith.addi %mul3A_2, %add3A_73 : i32
    %dma_wait3A_75 = arith.constant 0 : i32
    %dma_wait3A_76 = tpu.memref_slice %arg2[%add3A_74, %dma_wait3A_75] : memref<65536x256xf32, #tpu.memory_space<hbm>> -> memref<128x256xf32, #tpu.memory_space<hbm>>
    %dma_wait3A_77 = arith.constant 0 : i32
    %dma_wait3A_78 = tpu.memref_slice %arg2[%add3A_74, %dma_wait3A_77] : memref<65536x256xf32, #tpu.memory_space<hbm>> -> memref<128x256xf32, #tpu.memory_space<hbm>>
    tpu.wait_dma2 semaphore(%arg8 : memref<!tpu.dma_semaphore, #tpu.memory_space<semaphore_mem>>) src(%dma_wait3A_78 : memref<128x256xf32, #tpu.memory_space<hbm>>) dst(%arg5 : memref<128x256xf32, #tpu.memory_space<vmem>>)
    %add3A_79 = arith.constant 896 : i32
    %add3A_80 = arith.addi %mul3A_2, %add3A_79 : i32
    %dma_start3A_81 = arith.constant 0 : i32
    %dma_start3A_82 = tpu.memref_slice %arg2[%add3A_80, %dma_start3A_81] : memref<65536x256xf32, #tpu.memory_space<hbm>> -> memref<128x256xf32, #tpu.memory_space<hbm>>
    %dma_start3A_83 = arith.constant 0 : i32
    %dma_start3A_84 = tpu.memref_slice %arg2[%add3A_80, %dma_start3A_83] : memref<65536x256xf32, #tpu.memory_space<hbm>> -> memref<128x256xf32, #tpu.memory_space<hbm>>
    tpu.enqueue_dma source(%dma_start3A_84 : memref<128x256xf32, #tpu.memory_space<hbm>>) target(%arg5 : memref<128x256xf32, #tpu.memory_space<vmem>>) target_semaphore(%arg8 : memref<!tpu.dma_semaphore, #tpu.memory_space<semaphore_mem>>)
    %add3A_85 = arith.constant 768 : i32
    %add3A_86 = arith.addi %mul3A_2, %add3A_85 : i32
    %dma_wait3A_87 = arith.constant 0 : i32
    %dma_wait3A_88 = tpu.memref_slice %arg2[%add3A_86, %dma_wait3A_87] : memref<65536x256xf32, #tpu.memory_space<hbm>> -> memref<128x256xf32, #tpu.memory_space<hbm>>
    %dma_wait3A_89 = arith.constant 0 : i32
    %dma_wait3A_90 = tpu.memref_slice %arg2[%add3A_86, %dma_wait3A_89] : memref<65536x256xf32, #tpu.memory_space<hbm>> -> memref<128x256xf32, #tpu.memory_space<hbm>>
    tpu.wait_dma2 semaphore(%arg7 : memref<!tpu.dma_semaphore, #tpu.memory_space<semaphore_mem>>) src(%dma_wait3A_90 : memref<128x256xf32, #tpu.memory_space<hbm>>) dst(%arg4 : memref<128x256xf32, #tpu.memory_space<vmem>>)
    %add3A_91 = arith.constant 1024 : i32
    %add3A_92 = arith.addi %mul3A_2, %add3A_91 : i32
    %dma_start3A_93 = arith.constant 0 : i32
    %dma_start3A_94 = tpu.memref_slice %arg2[%add3A_92, %dma_start3A_93] : memref<65536x256xf32, #tpu.memory_space<hbm>> -> memref<128x256xf32, #tpu.memory_space<hbm>>
    %dma_start3A_95 = arith.constant 0 : i32
    %dma_start3A_96 = tpu.memref_slice %arg2[%add3A_92, %dma_start3A_95] : memref<65536x256xf32, #tpu.memory_space<hbm>> -> memref<128x256xf32, #tpu.memory_space<hbm>>
    tpu.enqueue_dma source(%dma_start3A_96 : memref<128x256xf32, #tpu.memory_space<hbm>>) target(%arg4 : memref<128x256xf32, #tpu.memory_space<vmem>>) target_semaphore(%arg7 : memref<!tpu.dma_semaphore, #tpu.memory_space<semaphore_mem>>)
    %add3A_97 = arith.constant 896 : i32
    %add3A_98 = arith.addi %mul3A_2, %add3A_97 : i32
    %dma_wait3A_99 = arith.constant 0 : i32
    %dma_wait3A_100 = tpu.memref_slice %arg2[%add3A_98, %dma_wait3A_99] : memref<65536x256xf32, #tpu.memory_space<hbm>> -> memref<128x256xf32, #tpu.memory_space<hbm>>
    %dma_wait3A_101 = arith.constant 0 : i32
    %dma_wait3A_102 = tpu.memref_slice %arg2[%add3A_98, %dma_wait3A_101] : memref<65536x256xf32, #tpu.memory_space<hbm>> -> memref<128x256xf32, #tpu.memory_space<hbm>>
    tpu.wait_dma2 semaphore(%arg8 : memref<!tpu.dma_semaphore, #tpu.memory_space<semaphore_mem>>) src(%dma_wait3A_102 : memref<128x256xf32, #tpu.memory_space<hbm>>) dst(%arg5 : memref<128x256xf32, #tpu.memory_space<vmem>>)
    %add3A_103 = arith.constant 1152 : i32
    %add3A_104 = arith.addi %mul3A_2, %add3A_103 : i32
    %dma_start3A_105 = arith.constant 0 : i32
    %dma_start3A_106 = tpu.memref_slice %arg2[%add3A_104, %dma_start3A_105] : memref<65536x256xf32, #tpu.memory_space<hbm>> -> memref<128x256xf32, #tpu.memory_space<hbm>>
    %dma_start3A_107 = arith.constant 0 : i32
    %dma_start3A_108 = tpu.memref_slice %arg2[%add3A_104, %dma_start3A_107] : memref<65536x256xf32, #tpu.memory_space<hbm>> -> memref<128x256xf32, #tpu.memory_space<hbm>>
    tpu.enqueue_dma source(%dma_start3A_108 : memref<128x256xf32, #tpu.memory_space<hbm>>) target(%arg5 : memref<128x256xf32, #tpu.memory_space<vmem>>) target_semaphore(%arg8 : memref<!tpu.dma_semaphore, #tpu.memory_space<semaphore_mem>>)
    %add3A_109 = arith.constant 1024 : i32
    %add3A_110 = arith.addi %mul3A_2, %add3A_109 : i32
    %dma_wait3A_111 = arith.constant 0 : i32
    %dma_wait3A_112 = tpu.memref_slice %arg2[%add3A_110, %dma_wait3A_111] : memref<65536x256xf32, #tpu.memory_space<hbm>> -> memref<128x256xf32, #tpu.memory_space<hbm>>
    %dma_wait3A_113 = arith.constant 0 : i32
    %dma_wait3A_114 = tpu.memref_slice %arg2[%add3A_110, %dma_wait3A_113] : memref<65536x256xf32, #tpu.memory_space<hbm>> -> memref<128x256xf32, #tpu.memory_space<hbm>>
    tpu.wait_dma2 semaphore(%arg7 : memref<!tpu.dma_semaphore, #tpu.memory_space<semaphore_mem>>) src(%dma_wait3A_114 : memref<128x256xf32, #tpu.memory_space<hbm>>) dst(%arg4 : memref<128x256xf32, #tpu.memory_space<vmem>>)
    %add3A_115 = arith.constant 1280 : i32
    %add3A_116 = arith.addi %mul3A_2, %add3A_115 : i32
    %dma_start3A_117 = arith.constant 0 : i32
    %dma_start3A_118 = tpu.memref_slice %arg2[%add3A_116, %dma_start3A_117] : memref<65536x256xf32, #tpu.memory_space<hbm>> -> memref<128x256xf32, #tpu.memory_space<hbm>>
    %dma_start3A_119 = arith.constant 0 : i32
    %dma_start3A_120 = tpu.memref_slice %arg2[%add3A_116, %dma_start3A_119] : memref<65536x256xf32, #tpu.memory_space<hbm>> -> memref<128x256xf32, #tpu.memory_space<hbm>>
    tpu.enqueue_dma source(%dma_start3A_120 : memref<128x256xf32, #tpu.memory_space<hbm>>) target(%arg4 : memref<128x256xf32, #tpu.memory_space<vmem>>) target_semaphore(%arg7 : memref<!tpu.dma_semaphore, #tpu.memory_space<semaphore_mem>>)
    %add3A_121 = arith.constant 1152 : i32
    %add3A_122 = arith.addi %mul3A_2, %add3A_121 : i32
    %dma_wait3A_123 = arith.constant 0 : i32
    %dma_wait3A_124 = tpu.memref_slice %arg2[%add3A_122, %dma_wait3A_123] : memref<65536x256xf32, #tpu.memory_space<hbm>> -> memref<128x256xf32, #tpu.memory_space<hbm>>
    %dma_wait3A_125 = arith.constant 0 : i32
    %dma_wait3A_126 = tpu.memref_slice %arg2[%add3A_122, %dma_wait3A_125] : memref<65536x256xf32, #tpu.memory_space<hbm>> -> memref<128x256xf32, #tpu.memory_space<hbm>>
    tpu.wait_dma2 semaphore(%arg8 : memref<!tpu.dma_semaphore, #tpu.memory_space<semaphore_mem>>) src(%dma_wait3A_126 : memref<128x256xf32, #tpu.memory_space<hbm>>) dst(%arg5 : memref<128x256xf32, #tpu.memory_space<vmem>>)
    %add3A_127 = arith.constant 1408 : i32
    %add3A_128 = arith.addi %mul3A_2, %add3A_127 : i32
    %dma_start3A_129 = arith.constant 0 : i32
    %dma_start3A_130 = tpu.memref_slice %arg2[%add3A_128, %dma_start3A_129] : memref<65536x256xf32, #tpu.memory_space<hbm>> -> memref<128x256xf32, #tpu.memory_space<hbm>>
    %dma_start3A_131 = arith.constant 0 : i32
    %dma_start3A_132 = tpu.memref_slice %arg2[%add3A_128, %dma_start3A_131] : memref<65536x256xf32, #tpu.memory_space<hbm>> -> memref<128x256xf32, #tpu.memory_space<hbm>>
    tpu.enqueue_dma source(%dma_start3A_132 : memref<128x256xf32, #tpu.memory_space<hbm>>) target(%arg5 : memref<128x256xf32, #tpu.memory_space<vmem>>) target_semaphore(%arg8 : memref<!tpu.dma_semaphore, #tpu.memory_space<semaphore_mem>>)
    %add3A_133 = arith.constant 1280 : i32
    %add3A_134 = arith.addi %mul3A_2, %add3A_133 : i32
    %dma_wait3A_135 = arith.constant 0 : i32
    %dma_wait3A_136 = tpu.memref_slice %arg2[%add3A_134, %dma_wait3A_135] : memref<65536x256xf32, #tpu.memory_space<hbm>> -> memref<128x256xf32, #tpu.memory_space<hbm>>
    %dma_wait3A_137 = arith.constant 0 : i32
    %dma_wait3A_138 = tpu.memref_slice %arg2[%add3A_134, %dma_wait3A_137] : memref<65536x256xf32, #tpu.memory_space<hbm>> -> memref<128x256xf32, #tpu.memory_space<hbm>>
    tpu.wait_dma2 semaphore(%arg7 : memref<!tpu.dma_semaphore, #tpu.memory_space<semaphore_mem>>) src(%dma_wait3A_138 : memref<128x256xf32, #tpu.memory_space<hbm>>) dst(%arg4 : memref<128x256xf32, #tpu.memory_space<vmem>>)
    %add3A_139 = arith.constant 1536 : i32
    %add3A_140 = arith.addi %mul3A_2, %add3A_139 : i32
    %dma_start3A_141 = arith.constant 0 : i32
    %dma_start3A_142 = tpu.memref_slice %arg2[%add3A_140, %dma_start3A_141] : memref<65536x256xf32, #tpu.memory_space<hbm>> -> memref<128x256xf32, #tpu.memory_space<hbm>>
    %dma_start3A_143 = arith.constant 0 : i32
    %dma_start3A_144 = tpu.memref_slice %arg2[%add3A_140, %dma_start3A_143] : memref<65536x256xf32, #tpu.memory_space<hbm>> -> memref<128x256xf32, #tpu.memory_space<hbm>>
    tpu.enqueue_dma source(%dma_start3A_144 : memref<128x256xf32, #tpu.memory_space<hbm>>) target(%arg4 : memref<128x256xf32, #tpu.memory_space<vmem>>) target_semaphore(%arg7 : memref<!tpu.dma_semaphore, #tpu.memory_space<semaphore_mem>>)
    %add3A_145 = arith.constant 1408 : i32
    %add3A_146 = arith.addi %mul3A_2, %add3A_145 : i32
    %dma_wait3A_147 = arith.constant 0 : i32
    %dma_wait3A_148 = tpu.memref_slice %arg2[%add3A_146, %dma_wait3A_147] : memref<65536x256xf32, #tpu.memory_space<hbm>> -> memref<128x256xf32, #tpu.memory_space<hbm>>
    %dma_wait3A_149 = arith.constant 0 : i32
    %dma_wait3A_150 = tpu.memref_slice %arg2[%add3A_146, %dma_wait3A_149] : memref<65536x256xf32, #tpu.memory_space<hbm>> -> memref<128x256xf32, #tpu.memory_space<hbm>>
    tpu.wait_dma2 semaphore(%arg8 : memref<!tpu.dma_semaphore, #tpu.memory_space<semaphore_mem>>) src(%dma_wait3A_150 : memref<128x256xf32, #tpu.memory_space<hbm>>) dst(%arg5 : memref<128x256xf32, #tpu.memory_space<vmem>>)
    %add3A_151 = arith.constant 1664 : i32
    %add3A_152 = arith.addi %mul3A_2, %add3A_151 : i32
    %dma_start3A_153 = arith.constant 0 : i32
    %dma_start3A_154 = tpu.memref_slice %arg2[%add3A_152, %dma_start3A_153] : memref<65536x256xf32, #tpu.memory_space<hbm>> -> memref<128x256xf32, #tpu.memory_space<hbm>>
    %dma_start3A_155 = arith.constant 0 : i32
    %dma_start3A_156 = tpu.memref_slice %arg2[%add3A_152, %dma_start3A_155] : memref<65536x256xf32, #tpu.memory_space<hbm>> -> memref<128x256xf32, #tpu.memory_space<hbm>>
    tpu.enqueue_dma source(%dma_start3A_156 : memref<128x256xf32, #tpu.memory_space<hbm>>) target(%arg5 : memref<128x256xf32, #tpu.memory_space<vmem>>) target_semaphore(%arg8 : memref<!tpu.dma_semaphore, #tpu.memory_space<semaphore_mem>>)
    %add3A_157 = arith.constant 1536 : i32
    %add3A_158 = arith.addi %mul3A_2, %add3A_157 : i32
    %dma_wait3A_159 = arith.constant 0 : i32
    %dma_wait3A_160 = tpu.memref_slice %arg2[%add3A_158, %dma_wait3A_159] : memref<65536x256xf32, #tpu.memory_space<hbm>> -> memref<128x256xf32, #tpu.memory_space<hbm>>
    %dma_wait3A_161 = arith.constant 0 : i32
    %dma_wait3A_162 = tpu.memref_slice %arg2[%add3A_158, %dma_wait3A_161] : memref<65536x256xf32, #tpu.memory_space<hbm>> -> memref<128x256xf32, #tpu.memory_space<hbm>>
    tpu.wait_dma2 semaphore(%arg7 : memref<!tpu.dma_semaphore, #tpu.memory_space<semaphore_mem>>) src(%dma_wait3A_162 : memref<128x256xf32, #tpu.memory_space<hbm>>) dst(%arg4 : memref<128x256xf32, #tpu.memory_space<vmem>>)
    %add3A_163 = arith.constant 1792 : i32
    %add3A_164 = arith.addi %mul3A_2, %add3A_163 : i32
    %dma_start3A_165 = arith.constant 0 : i32
    %dma_start3A_166 = tpu.memref_slice %arg2[%add3A_164, %dma_start3A_165] : memref<65536x256xf32, #tpu.memory_space<hbm>> -> memref<128x256xf32, #tpu.memory_space<hbm>>
    %dma_start3A_167 = arith.constant 0 : i32
    %dma_start3A_168 = tpu.memref_slice %arg2[%add3A_164, %dma_start3A_167] : memref<65536x256xf32, #tpu.memory_space<hbm>> -> memref<128x256xf32, #tpu.memory_space<hbm>>
    tpu.enqueue_dma source(%dma_start3A_168 : memref<128x256xf32, #tpu.memory_space<hbm>>) target(%arg4 : memref<128x256xf32, #tpu.memory_space<vmem>>) target_semaphore(%arg7 : memref<!tpu.dma_semaphore, #tpu.memory_space<semaphore_mem>>)
    %add3A_169 = arith.constant 1664 : i32
    %add3A_170 = arith.addi %mul3A_2, %add3A_169 : i32
    %dma_wait3A_171 = arith.constant 0 : i32
    %dma_wait3A_172 = tpu.memref_slice %arg2[%add3A_170, %dma_wait3A_171] : memref<65536x256xf32, #tpu.memory_space<hbm>> -> memref<128x256xf32, #tpu.memory_space<hbm>>
    %dma_wait3A_173 = arith.constant 0 : i32
    %dma_wait3A_174 = tpu.memref_slice %arg2[%add3A_170, %dma_wait3A_173] : memref<65536x256xf32, #tpu.memory_space<hbm>> -> memref<128x256xf32, #tpu.memory_space<hbm>>
    tpu.wait_dma2 semaphore(%arg8 : memref<!tpu.dma_semaphore, #tpu.memory_space<semaphore_mem>>) src(%dma_wait3A_174 : memref<128x256xf32, #tpu.memory_space<hbm>>) dst(%arg5 : memref<128x256xf32, #tpu.memory_space<vmem>>)
    %add3A_175 = arith.constant 1920 : i32
    %add3A_176 = arith.addi %mul3A_2, %add3A_175 : i32
    %dma_start3A_177 = arith.constant 0 : i32
    %dma_start3A_178 = tpu.memref_slice %arg2[%add3A_176, %dma_start3A_177] : memref<65536x256xf32, #tpu.memory_space<hbm>> -> memref<128x256xf32, #tpu.memory_space<hbm>>
    %dma_start3A_179 = arith.constant 0 : i32
    %dma_start3A_180 = tpu.memref_slice %arg2[%add3A_176, %dma_start3A_179] : memref<65536x256xf32, #tpu.memory_space<hbm>> -> memref<128x256xf32, #tpu.memory_space<hbm>>
    tpu.enqueue_dma source(%dma_start3A_180 : memref<128x256xf32, #tpu.memory_space<hbm>>) target(%arg5 : memref<128x256xf32, #tpu.memory_space<vmem>>) target_semaphore(%arg8 : memref<!tpu.dma_semaphore, #tpu.memory_space<semaphore_mem>>)
    %add3A_181 = arith.constant 1792 : i32
    %add3A_182 = arith.addi %mul3A_2, %add3A_181 : i32
    %dma_wait3A_183 = arith.constant 0 : i32
    %dma_wait3A_184 = tpu.memref_slice %arg2[%add3A_182, %dma_wait3A_183] : memref<65536x256xf32, #tpu.memory_space<hbm>> -> memref<128x256xf32, #tpu.memory_space<hbm>>
    %dma_wait3A_185 = arith.constant 0 : i32
    %dma_wait3A_186 = tpu.memref_slice %arg2[%add3A_182, %dma_wait3A_185] : memref<65536x256xf32, #tpu.memory_space<hbm>> -> memref<128x256xf32, #tpu.memory_space<hbm>>
    tpu.wait_dma2 semaphore(%arg7 : memref<!tpu.dma_semaphore, #tpu.memory_space<semaphore_mem>>) src(%dma_wait3A_186 : memref<128x256xf32, #tpu.memory_space<hbm>>) dst(%arg4 : memref<128x256xf32, #tpu.memory_space<vmem>>)
    %add3A_187 = arith.constant 1920 : i32
    %add3A_188 = arith.addi %mul3A_2, %add3A_187 : i32
    %dma_wait3A_189 = arith.constant 0 : i32
    %dma_wait3A_190 = tpu.memref_slice %arg2[%add3A_188, %dma_wait3A_189] : memref<65536x256xf32, #tpu.memory_space<hbm>> -> memref<128x256xf32, #tpu.memory_space<hbm>>
    %dma_wait3A_191 = arith.constant 0 : i32
    %dma_wait3A_192 = tpu.memref_slice %arg2[%add3A_188, %dma_wait3A_191] : memref<65536x256xf32, #tpu.memory_space<hbm>> -> memref<128x256xf32, #tpu.memory_space<hbm>>
    tpu.wait_dma2 semaphore(%arg8 : memref<!tpu.dma_semaphore, #tpu.memory_space<semaphore_mem>>) src(%dma_wait3A_192 : memref<128x256xf32, #tpu.memory_space<hbm>>) dst(%arg5 : memref<128x256xf32, #tpu.memory_space<vmem>>)
    %get3A = arith.constant 0 : i32
    %get3A_193 = arith.index_cast %get3A : i32 to index
    %get3A_194 = arith.constant 0 : index
    %get3A_195 = tpu.vector_load %arg4[%get3A_193, %get3A_194] {strides = array<i32>} : memref<128x256xf32, #tpu.memory_space<vmem>>, vector<1x16xf32>,
    %get3A_196 = vector.shape_cast %get3A_195 : vector<1x16xf32> to vector<16xf32>
    %get3A_197 = arith.constant 0 : i32
    %get3A_198 = arith.index_cast %get3A_197 : i32 to index
    %get3A_199 = arith.constant 0 : index
    %get3A_200 = tpu.vector_load %arg5[%get3A_198, %get3A_199] {strides = array<i32>} : memref<128x256xf32, #tpu.memory_space<vmem>>, vector<1x16xf32>,
    %get3A_201 = vector.shape_cast %get3A_200 : vector<1x16xf32> to vector<16xf32>
    %add3A_202 = arith.addf %get3A_196, %get3A_201 : vector<16xf32>
    %swap3A = arith.constant 0 : index
    %swap3A_203 = tpu.vector_load %arg6[%swap3A] {strides = array<i32>} : memref<16xf32, #tpu.memory_space<vmem>>, vector<16xf32>,
    %swap3A_204 = vector.shape_cast %swap3A_203 : vector<16xf32> to vector<16xf32>
    %swap3A_205 = vector.shape_cast %add3A_202 : vector<16xf32> to vector<16xf32>
    tpu.vector_store %arg6[%swap3A], %swap3A_205 {strides = array<i32>} : memref<16xf32, #tpu.memory_space<vmem>>, vector<16xf32>,
    "tpu.region"() ({
      %run_scoped3A = tpu.sem_alloc : memref<!tpu.dma_semaphore, #tpu.memory_space<semaphore_mem>>
      %dma_start3A_206 = arith.constant 0 : i32
      %dma_start3A_207 = tpu.memref_slice %arg3[%add3A, %dma_start3A_206] : memref<32x16xf32, #tpu.memory_space<hbm>> -> memref<1x16xf32, #tpu.memory_space<hbm>>
      %dma_start3A_208 = tpu.memref_squeeze %dma_start3A_207 : memref<1x16xf32, #tpu.memory_space<hbm>> -> memref<16xf32, #tpu.memory_space<hbm>>
      %dma_start3A_209 = arith.constant 0 : i32
      %dma_start3A_210 = tpu.memref_slice %arg3[%add3A, %dma_start3A_209] : memref<32x16xf32, #tpu.memory_space<hbm>> -> memref<1x16xf32, #tpu.memory_space<hbm>>
      %dma_start3A_211 = tpu.memref_squeeze %dma_start3A_210 : memref<1x16xf32, #tpu.memory_space<hbm>> -> memref<16xf32, #tpu.memory_space<hbm>>
      tpu.enqueue_dma source(%arg6 : memref<16xf32, #tpu.memory_space<vmem>>) target(%dma_start3A_211 : memref<16xf32, #tpu.memory_space<hbm>>) target_semaphore(%run_scoped3A : memref<!tpu.dma_semaphore, #tpu.memory_space<semaphore_mem>>)
      %dma_wait3A_212 = arith.constant 0 : i32
      %dma_wait3A_213 = tpu.memref_slice %arg3[%add3A, %dma_wait3A_212] : memref<32x16xf32, #tpu.memory_space<hbm>> -> memref<1x16xf32, #tpu.memory_space<hbm>>
      %dma_wait3A_214 = tpu.memref_squeeze %dma_wait3A_213 : memref<1x16xf32, #tpu.memory_space<hbm>> -> memref<16xf32, #tpu.memory_space<hbm>>
      %dma_wait3A_215 = arith.constant 0 : i32
      %dma_wait3A_216 = tpu.memref_slice %arg3[%add3A, %dma_wait3A_215] : memref<32x16xf32, #tpu.memory_space<hbm>> -> memref<1x16xf32, #tpu.memory_space<hbm>>
      %dma_wait3A_217 = tpu.memref_squeeze %dma_wait3A_216 : memref<1x16xf32, #tpu.memory_space<hbm>> -> memref<16xf32, #tpu.memory_space<hbm>>
      tpu.wait_dma2 semaphore(%run_scoped3A : memref<!tpu.dma_semaphore, #tpu.memory_space<semaphore_mem>>) src(%arg6 : memref<16xf32, #tpu.memory_space<vmem>>) dst(%dma_wait3A_217 : memref<16xf32, #tpu.memory_space<hbm>>)
      tpu.yield
    }) : () -> ()
    return
  }
}

</mosaic_0001>

<sc_bundles>
// kernel: kernel.3.cloned.1.call-start
scs
__scs_entry_jumppad:
0x0: {  	(pc) =	sbr.rel $0x88, $3  }
0x1: {  	(tag) =	ssettag $0x0;
	lr =	simm.s32 $0x1  }
0x2: {  	[smem:$0x3FA0] =	sst lr;
	_ =	strace $0xD0000000  }
0x3: {  	_ = 	snop  }
0x4: {  	_ = 	snop  }
0x5: {  	_ = 	snop  }
0x6: {  	_ = 	snop  }
0x7: {  	_ = 	snop  }
__scs_overlays_trampoline_lowered:
0x8: {  	[smem:$0x3FAF] =	sst s0  }
0x9: {  	[smem:$0x3FB0] =	sst s1  }
0xa: {  	[smem:$0x3FB1] =	sst s2  }
0xb: {  	[smem:$0x3FB2] =	sst s3  }
0xc: {  	[smem:$0x3FB3] =	sst s4  }
0xd: {  	[smem:$0x3FB4] =	sst s5  }
0xe: {  	[smem:$0x3FB5] =	sst s6  }
0xf: {  	[smem:$0x3FB6] =	sst s7  }
0x10: {  	[smem:$0x3FB7] =	sst s8  }
0x11: {  	[smem:$0x3FB8] =	sst s9;
	s0 =	simm.s32 @!p0 $0x0  }
0x12: {  	s1 =	sld [smem:$0x3F9E];
	s0 =	simm.s32 @p0 $0x1  }
0x13: {  	[smem:$0x3FB9] =	sst s0;
	s0 =	simm.s32 @!p1 $0x0  }
0x14: {  	s2 =	sld [smem:$0x3F9D];
	s0 =	simm.s32 @p1 $0x1  }
0x15: {  	[smem:$0x3FBA] =	sst s0;
	s0 =	simm.s32 @!p2 $0x0  }
0x16: {  	s3 =	sld [smem:$0x3FDB];
	s0 =	simm.s32 @p2 $0x1  }
0x17: {  	s4 =	simm.s32 $0x1BF5;
	[smem:$0x3FBC] =	sst s0  }
0x18: {  	s0 =	sld [smem:$0x3F9F];
	_ =	swait.ge [sflag:s4], $0x0  }
0x19: {  	s7 =	sld [smem:$0x3FA0]  }
0x1a: {  	s8 =	sadd.s32 $0xFFFFE003, lr  }
0x1b: {  	s9 =	sadd.s32 $0xFFFFFEF7, lr;
	s5 =	simm.s32 $0xFFFFFFFF;
	p2 =	slt.u32 s8, $0xFFFFF086  }
0x1c: {  	p1 =	slt.u32 s9, $0xF7A;
	s5 =	simm.s32 @!p2 $0x0  }
0x1d: {  	s5 =	simm.s32 @p1 $0x1;
	p0 =	seq.s32 s7, s2  }
0x1e: {  	s7 =	smul.u32 @!p0 $0xF7A, s2;
	p2 =	seq.s32 @!p0 s5, $0x0  }
0x1f: {  	s9 =	smul.u32 $0xF7A, s1;
	s8 =	simm.s32 @!p0 $0x1BF5;
	p2 =	por !p2, p0  }
0x20: {  	[sflag:s8] =	ssyncset.s32 @!p0 $0xFFFFF086;
	s6 =	sadd.s32 @!p0 s3, s7;
	s7 =	simm.s32 @!p0 $0x108  }
0x21: {  	s3 =	sadd.s32 s3, s9;
	s6 =	sadd.s32 @!p0 $0x88, s6;
	s7 =	simm.s32 @p2 $0x1082  }
0x22: {  	[simem:s7], [sflag:s8] =	dma.local @!p0 [hbm:s6], $0xF7A  }
0x23: {  	s9 =	sor.u32 $0xD0000000, s2;
	s6 =	simm.s32 $0x108;
	_ =	swait.ge @!p0 [sflag:s8], $0x0  }
0x24: {  	s3 =	sadd.s32 $0x88, s3;
	s6 =	simm.s32 @!p1 $0x1082;
	[sflag:s4] =	ssyncset.s32 $0xFFFFF086  }
0x25: {  	[simem:s6], [sflag:s4] =	dma.local [hbm:s3], $0xF7A  }
0x26: {  	[smem:$0x3FA0] =	sst s1;
	(tag) =	ssettag s2;
	_ =	strace s9  }
0x27: {  	s1 =	sld [smem:$0x3FB0]  }
0x28: {  	s2 =	sld [smem:$0x3FB1]  }
0x29: {  	s4 =	sld [smem:$0x3FB3]  }
0x2a: {  	p0 =	seq.s32 s5, $0x0;
	s5 =	sld [smem:$0x3FB4]  }
0x2b: {  	s6 =	sld [smem:$0x3FB5]  }
0x2c: {  	s7 =	sld [smem:$0x3FB6]  }
0x2d: {  	s3 =	simm.s32 $0x108;
	s8 =	sld [smem:$0x3FB7]  }
0x2e: {  	s3 =	simm.s32 @!p0 $0x1082;
	s9 =	sld [smem:$0x3FB8]  }
0x2f: {  	lr =	sadd.s32 s0, s3;
	s0 =	sld [smem:$0x3FAF]  }
0x30: {  	s3 =	sld [smem:$0x3FB2]  }
0x31: {  	[smem:$0x3FBB] =	sst s10  }
0x32: {  	s10 =	sld [smem:$0x3FB9];
	_ =	sdelay $0x3  }
0x33: {  	p0 =	seq.s32 s10, $0x1;
	s10 =	sld [smem:$0x3FBB];
	_ =	sdelay $0x3  }
0x34: {  	[smem:$0x3FBB] =	sst s10  }
0x35: {  	s10 =	sld [smem:$0x3FBA];
	_ =	sdelay $0x3  }
0x36: {  	p1 =	seq.s32 s10, $0x1;
	s10 =	sld [smem:$0x3FBB];
	_ =	sdelay $0x3  }
0x37: {  	[smem:$0x3FBB] =	sst s10  }
0x38: {  	s10 =	sld [smem:$0x3FBC]  }
0x39: {  	_ = 	snop;
	(pc) =	sbr.ind lr, $3  }
0x3a: {  	_ = 	snop  }
0x3b: {  	_ = 	snop  }
0x3c: {  	p2 =	seq.s32 s10, $0x1;
	s10 =	sld [smem:$0x3FBB]  }
0x3d: {  	_ =	shalt  }
0x3e: {  	_ =	shalt  }
0x3f: {  	_ =	shalt  }
0x40: {  	_ =	shalt  }
0x41: {  	_ =	shalt  }
0x42: {  	_ =	shalt  }
0x43: {  	_ =	shalt  }
0x44: {  	_ =	shalt  }
0x45: {  	_ =	shalt  }
0x46: {  	_ =	shalt  }
0x47: {  	_ =	shalt  }
0x48: {  	_ =	shalt  }
0x49: {  	_ =	shalt  }
0x4a: {  	_ =	shalt  }
0x4b: {  	_ =	shalt  }
0x4c: {  	_ =	shalt  }
0x4d: {  	_ =	shalt  }
0x4e: {  	_ =	shalt  }
0x4f: {  	_ =	shalt  }
0x50: {  	_ =	shalt  }
0x51: {  	_ =	shalt  }
0x52: {  	_ =	shalt  }
0x53: {  	_ =	shalt  }
0x54: {  	_ =	shalt  }
0x55: {  	_ =	shalt  }
0x56: {  	_ =	shalt  }
0x57: {  	_ =	shalt  }
0x58: {  	_ =	shalt  }
0x59: {  	_ =	shalt  }
0x5a: {  	_ =	shalt  }
0x5b: {  	_ =	shalt  }
0x5c: {  	_ =	shalt  }
0x5d: {  	_ =	shalt  }
0x5e: {  	_ =	shalt  }
0x5f: {  	_ =	shalt  }
0x60: {  	_ =	shalt  }
0x61: {  	_ =	shalt  }
0x62: {  	_ =	shalt  }
0x63: {  	_ =	shalt  }
0x64: {  	_ =	shalt  }
0x65: {  	_ =	shalt  }
0x66: {  	_ =	shalt  }
0x67: {  	_ =	shalt  }
0x68: {  	_ =	shalt  }
0x69: {  	_ =	shalt  }
0x6a: {  	_ =	shalt  }
0x6b: {  	_ =	shalt  }
0x6c: {  	_ =	shalt  }
0x6d: {  	_ =	shalt  }
0x6e: {  	_ =	shalt  }
0x6f: {  	_ =	shalt  }
0x70: {  	_ =	shalt  }
0x71: {  	_ =	shalt  }
0x72: {  	_ =	shalt  }
0x73: {  	_ =	shalt  }
0x74: {  	_ =	shalt  }
0x75: {  	_ =	shalt  }
0x76: {  	_ =	shalt  }
0x77: {  	_ =	shalt  }
0x78: {  	_ =	shalt  }
0x79: {  	_ =	shalt  }
0x7a: {  	_ =	shalt  }
0x7b: {  	_ =	shalt  }
0x7c: {  	_ =	shalt  }
0x7d: {  	_ =	shalt  }
0x7e: {  	_ =	shalt  }
0x7f: {  	_ =	shalt  }
0x80: {  	_ =	shalt  }
0x81: {  	_ =	shalt  }
0x82: {  	_ =	shalt  }
0x83: {  	_ =	shalt  }
0x84: {  	_ =	shalt  }
0x85: {  	_ =	shalt  }
0x86: {  	_ =	shalt  }
0x87: {  	_ =	shalt  }
.Lfunc_end0:
.L_simem_size_0:
called_computation_lowered:
.L_overlay_start_0:
0x88: {  	s2 =	sld [smem:$0x3FD9]  }
0x89: {  	s3 =	sld [smem:$0x3FFE];
	_ =	sdelay $0x1  }
0x8a: {  	s1 =	srdreg.scid  }
0x8b: {  	s0 =	sand.u32 $0x1, s1  }
0x8c: {  	s17 =	sshll.u32 s0, $0xA;
	s2 =	sadd.s32 s3, s2  }
0x8d: {  	s2 =	sadd.s32 s2, s17  }
0x8e: {  	[smem:$0x3FC7] =	sst s2  }
0x8f: {  	_ = 	snop  }
0x90: {  	s2 =	sld [smem:$0x3FC9];
	(tm) =	ssettm $0x1  }
0x91: {  	s18 =	sld [smem:$0x3FFB];
	_ =	sdelay $0x3  }
0x92: {  	_ =	strace s18  }
0x93: {  	s3 =	sld [smem:$0x3FFC];
	_ =	sdelay $0x3  }
0x94: {  	_ =	strace s3  }
0x95: {  	s3 =	sld [smem:$0x3FFD];
	_ =	sdelay $0x3  }
0x96: {  	_ =	strace s3  }
0x97: {  	_ =	strace $0x8FFFFFFF  }
0x98: {  	s19 =	sld [smem:$0x3FDB];
	_ =	sdelay $0x1  }
0x99: {  	s4 =	simm.s32 $_scs_section_size  }
0x9a: {  	s5 =	simm.s32 $_size__tile_overlayer_lowered;
	s6 =	simm.s32 $_tile_overlayer_lowered  }
0x9b: {  	s22 =	simm.s32 $0x1BFF;
	s21 =	sshll.u32 s6, $0x1;
	s3 =	sadd.s32 s4, s19  }
0x9c: {  	s7 =	simm.s32 $0x0;
	s20 =	sshll.u32 s5, $0x1;
	s5 =	sadd.s32 s21, s3  }
0x9d: {  	[timem:s7], [sflag:s22] =	dma.local [hbm:s5], s20  }
0x9e: {  	_ =	swait.ge [sflag:s22], s20  }
0x9f: {  	s4 =	ssub.s32 $0x0, s20;
	[sflag:s22] =	ssyncset.done $0x0  }
0xa0: {  	[sflag:s22] =	ssyncadd.s32 s4;
	_ =	sdelay $0x1  }
0xa1: {  	s23 =	simm.s32 $0x1B8B  }
0xa2: {  	_ =	swait.ge [sflag:s23], $0x1  }
0xa3: {  	[sflag:s23] =	ssyncset.done $0x0  }
0xa4: {  	s25 =	simm.s32 $0x1B8E;
	s24 =	sld [smem:$0x3FFE];
	[sflag:s23] =	ssyncadd.s32 $0xFFFFFFFF  }
0xa5: {  	s26 =	simm.s32 $execute0_lowered;
	[smem:$0x3FD2] =	sst s25  }
0xa6: {  	s5 =	sshll.u32 s26, $0x1;
	_ =	strace $0x80000046;
	[dreg:$0x1] =	wrdreg $0xFFFFFFFF  }
0xa7: {  	s28 =	simm.s32 $_size_execute0_lowered;
	s3 =	sadd.s32 s3, s5;
	[dreg:$0x0] =	wrdreg $0x0  }
0xa8: {  	s5 =	sshll.u32 s28, $0x1;
	[dreg:$0x2] =	wrdreg s3  }
0xa9: {  	[dreg:$0x3] =	wrdreg s5  }
0xaa: {  	[dreg:$0x4] =	wrdreg $0xC0  }
0xab: {  	_ =	task [dreg:s7], $0x5FFFF  }
0xac: {  	[dreg:$0x1] =	wrdreg $0xFFFFFFFF  }
0xad: {  	[dreg:$0x0] =	wrdreg $0x60  }
0xae: {  	[dreg:$0x2] =	wrdreg s2  }
0xaf: {  	[dreg:$0x3] =	wrdreg s24  }
0xb0: {  	[dreg:$0x4] =	wrdreg $0x9  }
0xb1: {  	_ =	task.clear_ibuf [dreg:s7], $0x5FFFF;
	_ =	strace $0x90000046  }
0xb2: {  	s29 =	simm.s32 $0x9;
	_ =	strace $0x80000048  }
0xb3: {  	_ =	swait.ge [sflag:s29], $0x1  }
0xb4: {  	[sflag:s29] =	ssyncadd.s32 $0xFFFFFFFF  }
0xb5: {  	_ =	strace $0x90000048  }
0xb6: {  	_ =	sfence  }
0xb7: {  	s30 =	sld [smem:$0x0];
	_ =	sdelay $0x2  }
0xb8: {  	s31 =	sshll.u32 s1, $0xD;
	s1 =	sshrl.u32 s1, $0x2  }
0xb9: {  	s3 =	sand.u32 $0x4000, s31;
	s1 =	sadd.s32 s1, s30  }
0xba: {  	s0 =	sor.u32 s3, s0;
	s1 =	sshll.u32 s1, $0x11  }
0xbb: {  	s0 =	sor.u32 s1, s0  }
0xbc: {  	s0 =	sadd.s32 $0x8F2B, s0  }
0xbd: {  	[sflag:s0] =	ssyncadd.remote.s32 $0x1  }
0xbe: {  	_ =	sfence.sel $0xFFFF  }
0xbf: {  	[dreg:$0x0] =	wrdreg $0xFFFFFFFF;
	(pc) =	sbr.abs _section_cstart, $3  }
0xc0: {  	[dreg:$0x1] =	wrdreg $0xFFFFFFFF  }
0xc1: {  	_ =	task.clear_ibuf [dreg:s7], $0x2FFFF;
	_ =	strace $0x9FFFFFFF  }
0xc2: {  	(tm) =	ssettm $0x7FFFFFFF  }
0xc3: {  	_ =	shalt  }
tec
execute0_lowered:
.L_overlay_start_1:
0x0: {  	(tag) =	ssettag $0x1  }
0x1: {  	s1 =	srdreg.scid;
	s0 =	stileid.u32  }
0x2: {  	s3 =	rddreg [dreg:$0x0];
	s23 =	sand.u32 $0x1, s1;
	s4 =	sshll.u32 s0, $0x1  }
0x3: {  	s22 =	rddreg [dreg:$0x1];
	s2 =	simm.s32 $0x0;
	s24 =	sor.u32 s23, s4  }
0x4: {  	[smem:$0x7FF] =	sst s2;
	s4 =	sshll.u32 s24, $0x10  }
0x5: {  	s1 =	rddreg [dreg:$0x2];
	_ =	strace $0x80000047;
	s3 =	sadd.s32 s3, s4  }
0x6: {  	[tilespmem:s2], [sflag:$0x1] =	stream.linear.gather [hbm4b:s3+s2], $0x8000, $0x38;
	[tilespmem:$0x10080] =	vst v63  }
0x7: {  	s5 =	simm.s32 $0x8000;
	s6 =	simm.s32 $0x1;
	s4 =	sadd.s32 $0x1000, s3  }
0x8: {  	[tilespmem:s5], [sflag:$0x2] =	stream.linear.gather [hbm4b:s4+s2], $0x8000, $0x38;
	[tilespmem:$0x10080] =	vst v63  }
0x9: {  	_ =	swait.ge [sflag:s6], $0x8000  }
0xa: {  	[sflag:s6] =	ssyncset.done $0x0  }
0xb: {  	s8 =	simm.s32 $0x2;
	s7 =	sadd.s32 $0x2000, s3;
	[sflag:s6] =	ssyncadd.s32 $0xFFFF8000  }
0xc: {  	[tilespmem:s2], [sflag:$0x1] =	stream.linear.gather [hbm4b:s7+s2], $0x8000, $0x38;
	[tilespmem:$0x10080] =	vst v63  }
0xd: {  	_ =	swait.ge [sflag:s8], $0x8000  }
0xe: {  	[sflag:s8] =	ssyncset.done $0x0  }
0xf: {  	s9 =	sadd.s32 $0x3000, s3;
	[sflag:s8] =	ssyncadd.s32 $0xFFFF8000  }
0x10: {  	[tilespmem:s5], [sflag:$0x2] =	stream.linear.gather [hbm4b:s9+s2], $0x8000, $0x38;
	[tilespmem:$0x10080] =	vst v63  }
0x11: {  	_ =	swait.ge [sflag:s6], $0x8000  }
0x12: {  	[sflag:s6] =	ssyncset.done $0x0  }
0x13: {  	s10 =	sadd.s32 $0x4000, s3;
	[sflag:s6] =	ssyncadd.s32 $0xFFFF8000  }
0x14: {  	[tilespmem:s2], [sflag:$0x1] =	stream.linear.gather [hbm4b:s10+s2], $0x8000, $0x38;
	[tilespmem:$0x10080] =	vst v63  }
0x15: {  	_ =	swait.ge [sflag:s8], $0x8000  }
0x16: {  	[sflag:s8] =	ssyncset.done $0x0  }
0x17: {  	s11 =	sadd.s32 $0x5000, s3;
	[sflag:s8] =	ssyncadd.s32 $0xFFFF8000  }
0x18: {  	[tilespmem:s5], [sflag:$0x2] =	stream.linear.gather [hbm4b:s11+s2], $0x8000, $0x38;
	[tilespmem:$0x10080] =	vst v63  }
0x19: {  	_ =	swait.ge [sflag:s6], $0x8000  }
0x1a: {  	[sflag:s6] =	ssyncset.done $0x0  }
0x1b: {  	s12 =	sadd.s32 $0x6000, s3;
	[sflag:s6] =	ssyncadd.s32 $0xFFFF8000  }
0x1c: {  	[tilespmem:s2], [sflag:$0x1] =	stream.linear.gather [hbm4b:s12+s2], $0x8000, $0x38;
	[tilespmem:$0x10080] =	vst v63  }
0x1d: {  	_ =	swait.ge [sflag:s8], $0x8000  }
0x1e: {  	[sflag:s8] =	ssyncset.done $0x0  }
0x1f: {  	s13 =	sadd.s32 $0x7000, s3;
	[sflag:s8] =	ssyncadd.s32 $0xFFFF8000  }
0x20: {  	[tilespmem:s5], [sflag:$0x2] =	stream.linear.gather [hbm4b:s13+s2], $0x8000, $0x38;
	[tilespmem:$0x10080] =	vst v63  }
0x21: {  	_ =	swait.ge [sflag:s6], $0x8000  }
0x22: {  	[sflag:s6] =	ssyncset.done $0x0  }
0x23: {  	s14 =	sadd.s32 $0x8000, s3;
	[sflag:s6] =	ssyncadd.s32 $0xFFFF8000  }
0x24: {  	[tilespmem:s2], [sflag:$0x1] =	stream.linear.gather [hbm4b:s14+s2], $0x8000, $0x38;
	[tilespmem:$0x10080] =	vst v63  }
0x25: {  	_ =	swait.ge [sflag:s8], $0x8000  }
0x26: {  	[sflag:s8] =	ssyncset.done $0x0  }
0x27: {  	s15 =	sadd.s32 $0x9000, s3;
	[sflag:s8] =	ssyncadd.s32 $0xFFFF8000  }
0x28: {  	[tilespmem:s5], [sflag:$0x2] =	stream.linear.gather [hbm4b:s15+s2], $0x8000, $0x38;
	[tilespmem:$0x10080] =	vst v63  }
0x29: {  	_ =	swait.ge [sflag:s6], $0x8000  }
0x2a: {  	[sflag:s6] =	ssyncset.done $0x0  }
0x2b: {  	s16 =	sadd.s32 $0xA000, s3;
	[sflag:s6] =	ssyncadd.s32 $0xFFFF8000  }
0x2c: {  	[tilespmem:s2], [sflag:$0x1] =	stream.linear.gather [hbm4b:s16+s2], $0x8000, $0x38;
	[tilespmem:$0x10080] =	vst v63  }
0x2d: {  	_ =	swait.ge [sflag:s8], $0x8000  }
0x2e: {  	[sflag:s8] =	ssyncset.done $0x0  }
0x2f: {  	s17 =	sadd.s32 $0xB000, s3;
	[sflag:s8] =	ssyncadd.s32 $0xFFFF8000  }
0x30: {  	[tilespmem:s5], [sflag:$0x2] =	stream.linear.gather [hbm4b:s17+s2], $0x8000, $0x38;
	[tilespmem:$0x10080] =	vst v63  }
0x31: {  	_ =	swait.ge [sflag:s6], $0x8000  }
0x32: {  	[sflag:s6] =	ssyncset.done $0x0  }
0x33: {  	s18 =	sadd.s32 $0xC000, s3;
	[sflag:s6] =	ssyncadd.s32 $0xFFFF8000  }
0x34: {  	[tilespmem:s2], [sflag:$0x1] =	stream.linear.gather [hbm4b:s18+s2], $0x8000, $0x38;
	[tilespmem:$0x10080] =	vst v63  }
0x35: {  	_ =	swait.ge [sflag:s8], $0x8000  }
0x36: {  	[sflag:s8] =	ssyncset.done $0x0  }
0x37: {  	s19 =	sadd.s32 $0xD000, s3;
	[sflag:s8] =	ssyncadd.s32 $0xFFFF8000  }
0x38: {  	[tilespmem:s5], [sflag:$0x2] =	stream.linear.gather [hbm4b:s19+s2], $0x8000, $0x38;
	[tilespmem:$0x10080] =	vst v63  }
0x39: {  	_ =	swait.ge [sflag:s6], $0x8000  }
0x3a: {  	[sflag:s6] =	ssyncset.done $0x0  }
0x3b: {  	s20 =	sadd.s32 $0xE000, s3;
	[sflag:s6] =	ssyncadd.s32 $0xFFFF8000  }
0x3c: {  	[tilespmem:s2], [sflag:$0x1] =	stream.linear.gather [hbm4b:s20+s2], $0x8000, $0x38;
	[tilespmem:$0x10080] =	vst v63  }
0x3d: {  	_ =	swait.ge [sflag:s8], $0x8000  }
0x3e: {  	[sflag:s8] =	ssyncset.done $0x0  }
0x3f: {  	s21 =	sadd.s32 $0xF000, s3;
	[sflag:s8] =	ssyncadd.s32 $0xFFFF8000  }
0x40: {  	[tilespmem:s5], [sflag:$0x2] =	stream.linear.gather [hbm4b:s21+s2], $0x8000, $0x38;
	[tilespmem:$0x10080] =	vst v63  }
0x41: {  	_ =	swait.ge [sflag:s6], $0x8000  }
0x42: {  	[sflag:s6] =	ssyncset.done $0x0  }
0x43: {  	[sflag:s6] =	ssyncadd.s32 $0xFFFF8000  }
0x44: {  	_ =	swait.ge [sflag:s8], $0x8000  }
0x45: {  	[sflag:s8] =	ssyncset.done $0x0  }
0x46: {  	[sflag:s8] =	ssyncadd.s32 $0xFFFF8000  }
0x47: {  	v0 =	vld [tilespmem:$0x0]  }
0x48: {  	s23 =	ssub.s32 $0x2, s23;
	v1 =	vld [tilespmem:$0x8000]  }
0x49: {  	s25 =	sshrl.u32 s23, $0x1  }
0x4a: {  	s23 =	ssub.s32 s23, s25  }
0x4b: {  	s25 =	smax.u32 s23, $0x1  }
0x4c: {  	p0 =	sne.s32 s25, $0x1  }
.Ltmp0:
0x4d: {  	s24 =	sshll.u32 s24, $0x4;
	v0 =	vadd.f32 v1, v0;
	(pc) =	sbr.rel @!p0 .LBB2_2-.Ltmp0, $4  }
0x4e: {  	s22 =	sadd.s32 s24, s22  }
0x4f: {  	s24 =	simm.s32 $0x3;
	s22 =	sadd.s32 $0x400, s22;
	s23 =	simm.s32 $0x10000;
	[tilespmem:$0x10000] =	vst v0  }
0x50: {  	[hbm4b:s22+s2] =	stream.linear.scatter [tilespmem:s23], [sflag:$0x3], $0x80, $0x38;
	[tilespmem:$0x10080] =	vst v63  }
0x51: {  	s25 =	sadd.s32 $0xFFFFFFFF, s25;
	_ =	swait.ge [sflag:s24], $0x80  }
.LBB2_1:
0x52: {  	p0 =	sne.s32 s25, $0x1;
	s25 =	sadd.s32 $0xFFFFFFFF, s25;
	[sflag:s24] =	ssyncset.done $0x0  }
0x53: {  	[sflag:s24] =	ssyncadd.s32 $0xFFFFFF80  }
0x54: {  	[tilespmem:s2], [sflag:$0x1] =	stream.linear.gather [hbm4b:s3+s2], $0x8000, $0x38;
	[tilespmem:$0x10080] =	vst v63  }
0x55: {  	_ = 	snop  }
0x56: {  	[tilespmem:s5], [sflag:$0x2] =	stream.linear.gather [hbm4b:s4+s2], $0x8000, $0x38;
	[tilespmem:$0x10080] =	vst v63  }
0x57: {  	_ =	swait.ge [sflag:s6], $0x8000  }
0x58: {  	[sflag:s6] =	ssyncset.done $0x0  }
0x59: {  	[sflag:s6] =	ssyncadd.s32 $0xFFFF8000  }
0x5a: {  	[tilespmem:s2], [sflag:$0x1] =	stream.linear.gather [hbm4b:s7+s2], $0x8000, $0x38;
	[tilespmem:$0x10080] =	vst v63  }
0x5b: {  	_ =	swait.ge [sflag:s8], $0x8000  }
0x5c: {  	[sflag:s8] =	ssyncset.done $0x0  }
0x5d: {  	[sflag:s8] =	ssyncadd.s32 $0xFFFF8000  }
0x5e: {  	[tilespmem:s5], [sflag:$0x2] =	stream.linear.gather [hbm4b:s9+s2], $0x8000, $0x38;
	[tilespmem:$0x10080] =	vst v63  }
0x5f: {  	_ =	swait.ge [sflag:s6], $0x8000  }
0x60: {  	[sflag:s6] =	ssyncset.done $0x0  }
0x61: {  	[sflag:s6] =	ssyncadd.s32 $0xFFFF8000  }
0x62: {  	[tilespmem:s2], [sflag:$0x1] =	stream.linear.gather [hbm4b:s10+s2], $0x8000, $0x38;
	[tilespmem:$0x10080] =	vst v63  }
0x63: {  	_ =	swait.ge [sflag:s8], $0x8000  }
0x64: {  	[sflag:s8] =	ssyncset.done $0x0  }
0x65: {  	[sflag:s8] =	ssyncadd.s32 $0xFFFF8000  }
0x66: {  	[tilespmem:s5], [sflag:$0x2] =	stream.linear.gather [hbm4b:s11+s2], $0x8000, $0x38;
	[tilespmem:$0x10080] =	vst v63  }
0x67: {  	_ =	swait.ge [sflag:s6], $0x8000  }
0x68: {  	[sflag:s6] =	ssyncset.done $0x0  }
0x69: {  	[sflag:s6] =	ssyncadd.s32 $0xFFFF8000  }
0x6a: {  	[tilespmem:s2], [sflag:$0x1] =	stream.linear.gather [hbm4b:s12+s2], $0x8000, $0x38;
	[tilespmem:$0x10080] =	vst v63  }
0x6b: {  	_ =	swait.ge [sflag:s8], $0x8000  }
0x6c: {  	[sflag:s8] =	ssyncset.done $0x0  }
0x6d: {  	[sflag:s8] =	ssyncadd.s32 $0xFFFF8000  }
0x6e: {  	[tilespmem:s5], [sflag:$0x2] =	stream.linear.gather [hbm4b:s13+s2], $0x8000, $0x38;
	[tilespmem:$0x10080] =	vst v63  }
0x6f: {  	_ =	swait.ge [sflag:s6], $0x8000  }
0x70: {  	[sflag:s6] =	ssyncset.done $0x0  }
0x71: {  	[sflag:s6] =	ssyncadd.s32 $0xFFFF8000  }
0x72: {  	[tilespmem:s2], [sflag:$0x1] =	stream.linear.gather [hbm4b:s14+s2], $0x8000, $0x38;
	[tilespmem:$0x10080] =	vst v63  }
0x73: {  	_ =	swait.ge [sflag:s8], $0x8000  }
0x74: {  	[sflag:s8] =	ssyncset.done $0x0  }
0x75: {  	[sflag:s8] =	ssyncadd.s32 $0xFFFF8000  }
0x76: {  	[tilespmem:s5], [sflag:$0x2] =	stream.linear.gather [hbm4b:s15+s2], $0x8000, $0x38;
	[tilespmem:$0x10080] =	vst v63  }
0x77: {  	_ =	swait.ge [sflag:s6], $0x8000  }
0x78: {  	[sflag:s6] =	ssyncset.done $0x0  }
0x79: {  	[sflag:s6] =	ssyncadd.s32 $0xFFFF8000  }
0x7a: {  	[tilespmem:s2], [sflag:$0x1] =	stream.linear.gather [hbm4b:s16+s2], $0x8000, $0x38;
	[tilespmem:$0x10080] =	vst v63  }
0x7b: {  	_ =	swait.ge [sflag:s8], $0x8000  }
0x7c: {  	[sflag:s8] =	ssyncset.done $0x0  }
0x7d: {  	[sflag:s8] =	ssyncadd.s32 $0xFFFF8000  }
0x7e: {  	[tilespmem:s5], [sflag:$0x2] =	stream.linear.gather [hbm4b:s17+s2], $0x8000, $0x38;
	[tilespmem:$0x10080] =	vst v63  }
0x7f: {  	_ =	swait.ge [sflag:s6], $0x8000  }
0x80: {  	[sflag:s6] =	ssyncset.done $0x0  }
0x81: {  	[sflag:s6] =	ssyncadd.s32 $0xFFFF8000  }
0x82: {  	[tilespmem:s2], [sflag:$0x1] =	stream.linear.gather [hbm4b:s18+s2], $0x8000, $0x38;
	[tilespmem:$0x10080] =	vst v63  }
0x83: {  	_ =	swait.ge [sflag:s8], $0x8000  }
0x84: {  	[sflag:s8] =	ssyncset.done $0x0  }
0x85: {  	[sflag:s8] =	ssyncadd.s32 $0xFFFF8000  }
0x86: {  	[tilespmem:s5], [sflag:$0x2] =	stream.linear.gather [hbm4b:s19+s2], $0x8000, $0x38;
	[tilespmem:$0x10080] =	vst v63  }
0x87: {  	_ =	swait.ge [sflag:s6], $0x8000  }
0x88: {  	[sflag:s6] =	ssyncset.done $0x0  }
0x89: {  	[sflag:s6] =	ssyncadd.s32 $0xFFFF8000  }
0x8a: {  	[tilespmem:s2], [sflag:$0x1] =	stream.linear.gather [hbm4b:s20+s2], $0x8000, $0x38;
	[tilespmem:$0x10080] =	vst v63  }
0x8b: {  	_ =	swait.ge [sflag:s8], $0x8000  }
0x8c: {  	[sflag:s8] =	ssyncset.done $0x0  }
0x8d: {  	[sflag:s8] =	ssyncadd.s32 $0xFFFF8000  }
0x8e: {  	[tilespmem:s5], [sflag:$0x2] =	stream.linear.gather [hbm4b:s21+s2], $0x8000, $0x38;
	[tilespmem:$0x10080] =	vst v63  }
0x8f: {  	_ =	swait.ge [sflag:s6], $0x8000  }
0x90: {  	[sflag:s6] =	ssyncset.done $0x0  }
0x91: {  	[sflag:s6] =	ssyncadd.s32 $0xFFFF8000  }
0x92: {  	_ =	swait.ge [sflag:s8], $0x8000  }
0x93: {  	[sflag:s8] =	ssyncset.done $0x0  }
0x94: {  	[sflag:s8] =	ssyncadd.s32 $0xFFFF8000  }
0x95: {  	v0 =	vld [tilespmem:$0x0]  }
0x96: {  	v1 =	vld [tilespmem:$0x8000];
	_ =	sdelay $0x4  }
.Ltmp1:
0x97: {  	v0 =	vadd.f32 v1, v0;
	(pc) =	sbr.rel @p0 .LBB2_1-.Ltmp1, $4  }
0x98: {  	_ = 	snop  }
0x99: {  	[tilespmem:$0x10000] =	vst v0  }
0x9a: {  	[hbm4b:s22+s2] =	stream.linear.scatter [tilespmem:s23], [sflag:$0x3], $0x80, $0x38;
	[tilespmem:$0x10080] =	vst v63  }
0x9b: {  	_ =	swait.ge [sflag:s24], $0x80  }
.LBB2_2:
0x9c: {  	[sflag:s24] =	ssyncset.done $0x0  }
0x9d: {  	[sflag:s24] =	ssyncadd.s32 $0xFFFFFF80  }
0x9e: {  	_ =	sfence.sel $0x180000  }
0x9f: {  	[bflag:$0x0] =	sbarrier.arrive $0xFFFF  }
0xa0: {  	p0 =	sne.s32 s0, $0x0;
	_ =	strace $0x90000047  }
0xa1: {  	s0 =	sadd.s32 @!p0 $0x100000, s1;
	[bflag:$0x2] =	sbarrier.arrive $0xFFFF  }
0xa2: {  	[sflag:s0] =	ssyncadd.tile.s32 @!p0 $0x1;
	_ =	shalt  }
.Lfunc_end2:
_tile_overlayer_lowered:
.L_overlay_start_2:
0xa3: {  	(tag) =	ssettag $0x2  }
0xa4: {  	s0 =	rddreg [dreg:$0x0];
	s2 =	stileid.u32  }
0xa5: {  	s1 =	rddreg [dreg:$0x1];
	p0 =	sne.s32 s2, $0x0  }
0xa6: {  	s3 =	rddreg [dreg:$0x2];
	[bflag:$0x3] =	sbarrier.arrive $0xFFFF;
	s2 =	simm.s32 @!p0 $0x1C03  }
0xa7: {  	[timem:s3], [sflag:s2] =	dma.local @!p0 [hbm:s0], s1  }
0xa8: {  	s0 =	simm.s32 @!p0 $0x3  }
0xa9: {  	_ =	swait.ge @!p0 [sflag:s0], s1  }
0xaa: {  	s1 =	ssub.s32 @!p0 $0x0, s1;
	[sflag:s0] =	ssyncset.done @!p0 $0x0  }
0xab: {  	[sflag:s0] =	ssyncadd.s32 @!p0 s1  }
0xac: {  	[bflag:$0x3] =	sbarrier.arrive $0xFFFF  }
0xad: {  	_ =	shalt  }

</sc_bundles>
